<compile_context>
chip_gen: v7x
topology: tpu7x:2x2x1
jax: 0.10.2.dev20260603
libtpu: 0.0.44.dev20260713+nightly
codegen_flags: <defaults>
</compile_context>

<pallas_src>
import functools
import math

import jax
import jax.numpy as jnp
from jax import lax
from jax.experimental import pallas as pl
from jax.experimental.pallas import tpu as pltpu
from jax.experimental.pallas import tpu_sc as plsc

_BATCH = 16384
_SEQ = 20
_TABLE = 1000
_TABLE_PAD = 1008
_NC = 2
_NS = 16
_NW = _NC * _NS
_ROWS_PER_W = _BATCH // _NW
_GROUPS = _ROWS_PER_W // 16

_LEVEL_SCALE = math.exp(math.log(1e50) / 20.0) ** 10.0


def _sc_body(idx_hbm, table_hbm, out_hbm, idx_v, table_v, out_v, red_v,
             sem0, semt):
    wid = lax.axis_index("s") * _NC + lax.axis_index("c")

    idx_dma = pltpu.async_copy(idx_hbm.at[wid], idx_v, sem0)
    tab_dma = pltpu.async_copy(table_hbm, table_v.at[pl.ds(0, _TABLE)], semt)
    tab_dma.wait()
    lane = jnp.arange(16, dtype=jnp.int32)
    tail = table_v[pl.ds(_TABLE_PAD - 16, 16)]
    table_v[pl.ds(_TABLE_PAD - 16, 16)] = jnp.where(
        lane < 16 - (_TABLE_PAD - _TABLE), tail, jnp.float32(0.0)
    )

    def ssq_step(k, a):
        v = table_v[pl.ds(k * 16, 16)]
        return a + v * v

    ssq = lax.fori_loop(
        0, _TABLE_PAD // 16, ssq_step, jnp.zeros((16,), jnp.float32)
    )
    for off in (8, 4, 2, 1):
        red_v[...] = ssq
        ssq = ssq + plsc.load_gather(red_v, [(lane + off) & 15])
    s = ssq
    s2 = s * s
    s4 = s2 * s2
    s10 = s4 * s4 * s2
    inv_denom = jnp.float32(1.0) / s10
    lvl = jnp.float32(_LEVEL_SCALE)

    def group(g, _):
        base = g * 16
        ones = jnp.ones((16,), jnp.float32)

        def jstep(j, accs):
            a0, a1 = accs
            inds = idx_v[j, pl.ds(base, 16)]
            vals = plsc.load_gather(table_v, [inds])
            return (a1, a0 * vals)

        a0, a1 = lax.fori_loop(0, _SEQ, jstep, (ones, ones), unroll=4)
        acc = a0 * a1 * inv_denom * lvl
        out_v[pl.ds(base, 16)] = acc
        return _

    idx_dma.wait()
    lax.fori_loop(0, _GROUPS, group, 0)

    pltpu.sync_copy(out_v, out_hbm.at[pl.ds(wid * _ROWS_PER_W, _ROWS_PER_W)])


@functools.partial(jax.jit)
def _run(idx3, table):
    call = pl.kernel(
        _sc_body,
        out_type=jax.ShapeDtypeStruct((_BATCH,), jnp.float32),
        mesh=plsc.VectorSubcoreMesh(core_axis_name="c", subcore_axis_name="s"),
        scratch_types=[
            pltpu.VMEM((_SEQ, _ROWS_PER_W), jnp.int32),
            pltpu.VMEM((_TABLE_PAD,), jnp.float32),
            pltpu.VMEM((_ROWS_PER_W,), jnp.float32),
            pltpu.VMEM((16,), jnp.float32),
            pltpu.SemaphoreType.DMA,
            pltpu.SemaphoreType.DMA,
        ],
        compiler_params=pltpu.CompilerParams(needs_layout_passes=False),
    )
    return call(idx3, table)


def kernel(_input, mat0):
    idx3 = _input.reshape(_NW, _ROWS_PER_W, _SEQ).transpose(0, 2, 1)
    return _run(idx3, mat0)

# --- scband reference (transcript-rebuilt; emitter-appended) ---
"""Pipeline reference for scband-k-mat-46806553592477 (READ-ONLY COPY).

The authoritative reference and input builder live on the scoring server;
editing this copy changes nothing except your own understanding.
"""

import jax, jax.numpy as jnp
import numpy as np
import math

INIT_SIZE = 1000
KS = [0, 20]
G_SQ_SUM = 1e50
BATCH = 16384
SEQ = 20


def setup_inputs(seed: int = 0) -> dict:
    key = jax.random.key(seed)
    k1, k2 = jax.random.split(key)
    _input = jax.random.randint(k1, (BATCH, SEQ), 0, INIT_SIZE, dtype=jnp.int32)
    # order = len(ks) = 1 -> single seed matrix of size init_size ** 1, init as torch.rand
    mat0 = jax.random.uniform(k2, (INIT_SIZE,), dtype=jnp.float32)
    return {"_input": _input, "mat0": mat0}


def reference(_input, mat0):
    # k_mat.forward with order=1, ks=[0,20], fixed=True
    level_sq_sum = math.exp(math.log(G_SQ_SUM) / KS[-1])  # python float (fixed=True)
    total_output = jnp.ones(_input.shape[0], dtype=jnp.float32)
    # level i=0: gather + product over the sequence dimension
    _output = jnp.prod(mat0[_input[:, KS[0]:KS[1]] - 0], axis=1)
    _output = _output / jnp.sum(jnp.square(mat0)) ** ((KS[1] - KS[0]) / 2.0)
    _output = _output * jnp.float32(level_sq_sum ** ((KS[1] - KS[0]) / 2.0))
    total_output = total_output * _output
    return total_output

if __name__ == "__main__":
    import jax
    _d = setup_inputs()
    print(jax.jit(kernel)(*tuple(_d.values())))

</pallas_src>

<mosaic_0001>
#map = affine_map<(d0, d1) -> (0, 0, 0)>
#map1 = affine_map<(d0, d1) -> (0)>
module attributes {stable_mosaic.version = 14 : i64} {
  func.func @_sc_body(%arg0: i32, %arg1: i32, %arg2: memref<32x20x512xi32, #tpu.memory_space<hbm>>, %arg3: memref<1000xf32, #tpu.memory_space<hbm>>, %arg4: memref<16384xf32, #tpu.memory_space<hbm>>, %arg5: memref<20x512xi32, #tpu.memory_space<vmem>>, %arg6: memref<1008xf32, #tpu.memory_space<vmem>>, %arg7: memref<512xf32, #tpu.memory_space<vmem>>, %arg8: memref<16xf32, #tpu.memory_space<vmem>>, %arg9: memref<!tpu.dma_semaphore, #tpu.memory_space<semaphore_mem>>, %arg10: memref<!tpu.dma_semaphore, #tpu.memory_space<semaphore_mem>>) attributes {dimension_semantics = [#tpu.dimension_semantics<core_parallel>, #tpu.dimension_semantics<subcore_parallel>], iteration_bounds = array<i64: 2, 16>, scalar_prefetch = 0 : i64, scratch_operands = 6 : i64, tpu.core_type = #tpu.core_type<sc_vector_subcore>, window_params = [{transform_indices = #map}, {transform_indices = #map1}, {transform_indices = #map1}]} {
    %mul3A = arith.constant 2 : i32
    %mul3A_0 = arith.muli %arg1, %mul3A : i32
    %add3A = arith.addi %mul3A_0, %arg0 : i32
    %dma_start3A = arith.constant 0 : i32
    %dma_start3A_1 = arith.constant 0 : i32
    %dma_start3A_2 = tpu.memref_slice %arg2[%add3A, %dma_start3A, %dma_start3A_1] : memref<32x20x512xi32, #tpu.memory_space<hbm>> -> memref<1x20x512xi32, #tpu.memory_space<hbm>>
    %dma_start3A_3 = tpu.memref_squeeze %dma_start3A_2 : memref<1x20x512xi32, #tpu.memory_space<hbm>> -> memref<20x512xi32, #tpu.memory_space<hbm>>
    %dma_start3A_4 = arith.constant 0 : i32
    %dma_start3A_5 = arith.constant 0 : i32
    %dma_start3A_6 = tpu.memref_slice %arg2[%add3A, %dma_start3A_4, %dma_start3A_5] : memref<32x20x512xi32, #tpu.memory_space<hbm>> -> memref<1x20x512xi32, #tpu.memory_space<hbm>>
    %dma_start3A_7 = tpu.memref_squeeze %dma_start3A_6 : memref<1x20x512xi32, #tpu.memory_space<hbm>> -> memref<20x512xi32, #tpu.memory_space<hbm>>
    tpu.enqueue_dma source(%dma_start3A_7 : memref<20x512xi32, #tpu.memory_space<hbm>>) target(%arg5 : memref<20x512xi32, #tpu.memory_space<vmem>>) target_semaphore(%arg9 : memref<!tpu.dma_semaphore, #tpu.memory_space<semaphore_mem>>)
    %dma_start3A_8 = arith.constant 0 : i32
    %dma_start3A_9 = tpu.memref_slice %arg6[%dma_start3A_8] : memref<1008xf32, #tpu.memory_space<vmem>> -> memref<1000xf32, #tpu.memory_space<vmem>>
    %dma_start3A_10 = arith.constant 0 : i32
    %dma_start3A_11 = tpu.memref_slice %arg6[%dma_start3A_10] : memref<1008xf32, #tpu.memory_space<vmem>> -> memref<1000xf32, #tpu.memory_space<vmem>>
    tpu.enqueue_dma source(%arg3 : memref<1000xf32, #tpu.memory_space<hbm>>) target(%dma_start3A_11 : memref<1000xf32, #tpu.memory_space<vmem>>) target_semaphore(%arg10 : memref<!tpu.dma_semaphore, #tpu.memory_space<semaphore_mem>>)
    %dma_wait3A = arith.constant 0 : i32
    %dma_wait3A_12 = tpu.memref_slice %arg6[%dma_wait3A] : memref<1008xf32, #tpu.memory_space<vmem>> -> memref<1000xf32, #tpu.memory_space<vmem>>
    %dma_wait3A_13 = arith.constant 0 : i32
    %dma_wait3A_14 = tpu.memref_slice %arg6[%dma_wait3A_13] : memref<1008xf32, #tpu.memory_space<vmem>> -> memref<1000xf32, #tpu.memory_space<vmem>>
    tpu.wait_dma2 semaphore(%arg10 : memref<!tpu.dma_semaphore, #tpu.memory_space<semaphore_mem>>) src(%arg3 : memref<1000xf32, #tpu.memory_space<hbm>>) dst(%dma_wait3A_14 : memref<1000xf32, #tpu.memory_space<vmem>>)
    %iota3A = tpu.iota {dimensions = array<i32: 0>} : vector<16xi32>
    %get3A = arith.constant 992 : index
    %get3A_15 = tpu.vector_load %arg6[%get3A] {strides = array<i32>} : memref<1008xf32, #tpu.memory_space<vmem>>, vector<16xf32>,
    %lt3A = arith.constant 8 : i32
    %lt3A_16 = vector.broadcast %lt3A : i32 to vector<16xi32>
    %lt3A_17 = arith.cmpi slt, %iota3A, %lt3A_16 : vector<16xi32>
    %jit3A = arith.constant 0.000000e+00 : f32
    %broadcast_in_dim3A = vector.broadcast %jit3A : f32 to vector<16xf32>
    %select_n3A = arith.select %lt3A_17, %get3A_15, %broadcast_in_dim3A : vector<16xi1>, vector<16xf32>
    %swap3A = arith.constant 992 : index
    %swap3A_18 = tpu.vector_load %arg6[%swap3A] {strides = array<i32>} : memref<1008xf32, #tpu.memory_space<vmem>>, vector<16xf32>,
    tpu.vector_store %arg6[%swap3A], %select_n3A {strides = array<i32>} : memref<1008xf32, #tpu.memory_space<vmem>>, vector<16xf32>,
    %broadcast_in_dim3A_19 = arith.constant 0.000000e+00 : f32
    %broadcast_in_dim3A_20 = vector.broadcast %broadcast_in_dim3A_19 : f32 to vector<16xf32>
    %scan3A = arith.constant 0 : i32
    %scan3A_21 = arith.constant 63 : i32
    %scan3A_22 = arith.addi %scan3A, %scan3A_21 : i32
    %scan3A_23 = arith.constant 1 : i32
    %scan3A_24 = scf.for %scan3A_87 = %scan3A to %scan3A_22 step %scan3A_23 iter_args(%scan3A_88 = %broadcast_in_dim3A_20) -> (vector<16xf32>)  : i32 {
      %mul3A_89 = arith.constant 16 : i32
      %mul3A_90 = arith.muli %scan3A_87, %mul3A_89 : i32
      %get3A_91 = arith.index_cast %mul3A_90 : i32 to index
      %get3A_92 = tpu.vector_load %arg6[%get3A_91] {strides = array<i32>} : memref<1008xf32, #tpu.memory_space<vmem>>, vector<16xf32>,
      %mul3A_93 = arith.mulf %get3A_92, %get3A_92 : vector<16xf32>
      %add3A_94 = arith.addf %scan3A_88, %mul3A_93 : vector<16xf32>
      scf.yield %add3A_94 : vector<16xf32>
    }
    %scan3A_25 = arith.constant 63 : i32
    %swap3A_26 = arith.constant 0 : index
    %swap3A_27 = tpu.vector_load %arg8[%swap3A_26] {strides = array<i32>} : memref<16xf32, #tpu.memory_space<vmem>>, vector<16xf32>,
    tpu.vector_store %arg8[%swap3A_26], %scan3A_24 {strides = array<i32>} : memref<16xf32, #tpu.memory_space<vmem>>, vector<16xf32>,
    %add3A_28 = arith.constant 8 : i32
    %add3A_29 = vector.broadcast %add3A_28 : i32 to vector<16xi32>
    %add3A_30 = arith.addi %iota3A, %add3A_29 : vector<16xi32>
    %and3A = arith.constant 15 : i32
    %and3A_31 = vector.broadcast %and3A : i32 to vector<16xi32>
    %and3A_32 = arith.andi %add3A_30, %and3A_31 : vector<16xi32>
    %gather3A = tpu.vector_load_idx %arg8[%and3A_32] : memref<16xf32, #tpu.memory_space<vmem>>[vector<16xi32>], vector<16xf32>,
    %add3A_33 = arith.addf %scan3A_24, %gather3A : vector<16xf32>
    %swap3A_34 = arith.constant 0 : index
    %swap3A_35 = tpu.vector_load %arg8[%swap3A_34] {strides = array<i32>} : memref<16xf32, #tpu.memory_space<vmem>>, vector<16xf32>,
    tpu.vector_store %arg8[%swap3A_34], %add3A_33 {strides = array<i32>} : memref<16xf32, #tpu.memory_space<vmem>>, vector<16xf32>,
    %add3A_36 = arith.constant 4 : i32
    %add3A_37 = vector.broadcast %add3A_36 : i32 to vector<16xi32>
    %add3A_38 = arith.addi %iota3A, %add3A_37 : vector<16xi32>
    %and3A_39 = arith.constant 15 : i32
    %and3A_40 = vector.broadcast %and3A_39 : i32 to vector<16xi32>
    %and3A_41 = arith.andi %add3A_38, %and3A_40 : vector<16xi32>
    %gather3A_42 = tpu.vector_load_idx %arg8[%and3A_41] : memref<16xf32, #tpu.memory_space<vmem>>[vector<16xi32>], vector<16xf32>,
    %add3A_43 = arith.addf %add3A_33, %gather3A_42 : vector<16xf32>
    %swap3A_44 = arith.constant 0 : index
    %swap3A_45 = tpu.vector_load %arg8[%swap3A_44] {strides = array<i32>} : memref<16xf32, #tpu.memory_space<vmem>>, vector<16xf32>,
    tpu.vector_store %arg8[%swap3A_44], %add3A_43 {strides = array<i32>} : memref<16xf32, #tpu.memory_space<vmem>>, vector<16xf32>,
    %add3A_46 = arith.constant 2 : i32
    %add3A_47 = vector.broadcast %add3A_46 : i32 to vector<16xi32>
    %add3A_48 = arith.addi %iota3A, %add3A_47 : vector<16xi32>
    %and3A_49 = arith.constant 15 : i32
    %and3A_50 = vector.broadcast %and3A_49 : i32 to vector<16xi32>
    %and3A_51 = arith.andi %add3A_48, %and3A_50 : vector<16xi32>
    %gather3A_52 = tpu.vector_load_idx %arg8[%and3A_51] : memref<16xf32, #tpu.memory_space<vmem>>[vector<16xi32>], vector<16xf32>,
    %add3A_53 = arith.addf %add3A_43, %gather3A_52 : vector<16xf32>
    %swap3A_54 = arith.constant 0 : index
    %swap3A_55 = tpu.vector_load %arg8[%swap3A_54] {strides = array<i32>} : memref<16xf32, #tpu.memory_space<vmem>>, vector<16xf32>,
    tpu.vector_store %arg8[%swap3A_54], %add3A_53 {strides = array<i32>} : memref<16xf32, #tpu.memory_space<vmem>>, vector<16xf32>,
    %add3A_56 = arith.constant 1 : i32
    %add3A_57 = vector.broadcast %add3A_56 : i32 to vector<16xi32>
    %add3A_58 = arith.addi %iota3A, %add3A_57 : vector<16xi32>
    %and3A_59 = arith.constant 15 : i32
    %and3A_60 = vector.broadcast %and3A_59 : i32 to vector<16xi32>
    %and3A_61 = arith.andi %add3A_58, %and3A_60 : vector<16xi32>
    %gather3A_62 = tpu.vector_load_idx %arg8[%and3A_61] : memref<16xf32, #tpu.memory_space<vmem>>[vector<16xi32>], vector<16xf32>,
    %add3A_63 = arith.addf %add3A_53, %gather3A_62 : vector<16xf32>
    %mul3A_64 = arith.mulf %add3A_63, %add3A_63 : vector<16xf32>
    %mul3A_65 = arith.mulf %mul3A_64, %mul3A_64 : vector<16xf32>
    %mul3A_66 = arith.mulf %mul3A_65, %mul3A_65 : vector<16xf32>
    %mul3A_67 = arith.mulf %mul3A_66, %mul3A_64 : vector<16xf32>
    %div3A = arith.constant 1.000000e+00 : f32
    %div3A_68 = vector.broadcast %div3A : f32 to vector<16xf32>
    %div3A_69 = arith.divf %div3A_68, %mul3A_67 : vector<16xf32>
    %dma_wait3A_70 = arith.constant 0 : i32
    %dma_wait3A_71 = arith.constant 0 : i32
    %dma_wait3A_72 = tpu.memref_slice %arg2[%add3A, %dma_wait3A_70, %dma_wait3A_71] : memref<32x20x512xi32, #tpu.memory_space<hbm>> -> memref<1x20x512xi32, #tpu.memory_space<hbm>>
    %dma_wait3A_73 = tpu.memref_squeeze %dma_wait3A_72 : memref<1x20x512xi32, #tpu.memory_space<hbm>> -> memref<20x512xi32, #tpu.memory_space<hbm>>
    %dma_wait3A_74 = arith.constant 0 : i32
    %dma_wait3A_75 = arith.constant 0 : i32
    %dma_wait3A_76 = tpu.memref_slice %arg2[%add3A, %dma_wait3A_74, %dma_wait3A_75] : memref<32x20x512xi32, #tpu.memory_space<hbm>> -> memref<1x20x512xi32, #tpu.memory_space<hbm>>
    %dma_wait3A_77 = tpu.memref_squeeze %dma_wait3A_76 : memref<1x20x512xi32, #tpu.memory_space<hbm>> -> memref<20x512xi32, #tpu.memory_space<hbm>>
    tpu.wait_dma2 semaphore(%arg9 : memref<!tpu.dma_semaphore, #tpu.memory_space<semaphore_mem>>) src(%dma_wait3A_77 : memref<20x512xi32, #tpu.memory_space<hbm>>) dst(%arg5 : memref<20x512xi32, #tpu.memory_space<vmem>>)
    %scan3A_78 = arith.constant 0 : i32
    %scan3A_79 = arith.constant 9.99999956E+24 : f32
    %scan3A_80 = arith.constant 0 : i32
    %scan3A_81 = arith.constant 32 : i32
    %scan3A_82 = arith.addi %scan3A_80, %scan3A_81 : i32
    %scan3A_83 = arith.constant 1 : i32
    scf.for %scan3A_87 = %scan3A_80 to %scan3A_82 step %scan3A_83  : i32 {
      %mul3A_88 = arith.constant 16 : i32
      %mul3A_89 = arith.muli %scan3A_87, %mul3A_88 : i32
      %broadcast_in_dim3A_90 = arith.constant 1.000000e+00 : f32
      %broadcast_in_dim3A_91 = vector.broadcast %broadcast_in_dim3A_90 : f32 to vector<16xf32>
      %scan3A_92 = arith.constant 0 : i32
      %scan3A_93 = arith.constant 20 : i32
      %scan3A_94 = arith.addi %scan3A_92, %scan3A_93 : i32
      %scan3A_95 = arith.constant 4 : i32
      %scan3A_96:2 = scf.for %scan3A_104 = %scan3A_92 to %scan3A_94 step %scan3A_95 iter_args(%scan3A_105 = %broadcast_in_dim3A_91, %scan3A_106 = %broadcast_in_dim3A_91) -> (vector<16xf32>, vector<16xf32>)  : i32 {
        %get3A_107 = arith.index_cast %scan3A_104 : i32 to index
        %get3A_108 = arith.index_cast %mul3A_89 : i32 to index
        %get3A_109 = tpu.vector_load %arg5[%get3A_107, %get3A_108] {strides = array<i32>} : memref<20x512xi32, #tpu.memory_space<vmem>>, vector<16xi32>,
        %gather3A_110 = tpu.vector_load_idx %arg6[%get3A_109] : memref<1008xf32, #tpu.memory_space<vmem>>[vector<16xi32>], vector<16xf32>,
        %mul3A_111 = arith.mulf %scan3A_105, %gather3A_110 : vector<16xf32>
        %scan3A_112 = arith.constant 1 : i32
        %scan3A_113 = arith.addi %scan3A_104, %scan3A_112 : i32
        %get3A_114 = arith.index_cast %scan3A_113 : i32 to index
        %get3A_115 = arith.index_cast %mul3A_89 : i32 to index
        %get3A_116 = tpu.vector_load %arg5[%get3A_114, %get3A_115] {strides = array<i32>} : memref<20x512xi32, #tpu.memory_space<vmem>>, vector<16xi32>,
        %gather3A_117 = tpu.vector_load_idx %arg6[%get3A_116] : memref<1008xf32, #tpu.memory_space<vmem>>[vector<16xi32>], vector<16xf32>,
        %mul3A_118 = arith.mulf %scan3A_106, %gather3A_117 : vector<16xf32>
        %scan3A_119 = arith.constant 2 : i32
        %scan3A_120 = arith.addi %scan3A_104, %scan3A_119 : i32
        %get3A_121 = arith.index_cast %scan3A_120 : i32 to index
        %get3A_122 = arith.index_cast %mul3A_89 : i32 to index
        %get3A_123 = tpu.vector_load %arg5[%get3A_121, %get3A_122] {strides = array<i32>} : memref<20x512xi32, #tpu.memory_space<vmem>>, vector<16xi32>,
        %gather3A_124 = tpu.vector_load_idx %arg6[%get3A_123] : memref<1008xf32, #tpu.memory_space<vmem>>[vector<16xi32>], vector<16xf32>,
        %mul3A_125 = arith.mulf %mul3A_111, %gather3A_124 : vector<16xf32>
        %scan3A_126 = arith.constant 3 : i32
        %scan3A_127 = arith.addi %scan3A_104, %scan3A_126 : i32
        %get3A_128 = arith.index_cast %scan3A_127 : i32 to index
        %get3A_129 = arith.index_cast %mul3A_89 : i32 to index
        %get3A_130 = tpu.vector_load %arg5[%get3A_128, %get3A_129] {strides = array<i32>} : memref<20x512xi32, #tpu.memory_space<vmem>>, vector<16xi32>,
        %gather3A_131 = tpu.vector_load_idx %arg6[%get3A_130] : memref<1008xf32, #tpu.memory_space<vmem>>[vector<16xi32>], vector<16xf32>,
        %mul3A_132 = arith.mulf %mul3A_118, %gather3A_131 : vector<16xf32>
        scf.yield %mul3A_125, %mul3A_132 : vector<16xf32>, vector<16xf32>
      }
      %scan3A_97 = arith.constant 20 : i32
      %mul3A_98 = arith.mulf %scan3A_96#0, %scan3A_96#1 : vector<16xf32>
      %mul3A_99 = arith.mulf %mul3A_98, %div3A_69 : vector<16xf32>
      %mul3A_100 = vector.broadcast %scan3A_79 : f32 to vector<16xf32>
      %mul3A_101 = arith.mulf %mul3A_99, %mul3A_100 : vector<16xf32>
      %swap3A_102 = arith.index_cast %mul3A_89 : i32 to index
      %swap3A_103 = tpu.vector_load %arg7[%swap3A_102] {strides = array<i32>} : memref<512xf32, #tpu.memory_space<vmem>>, vector<16xf32>,
      tpu.vector_store %arg7[%swap3A_102], %mul3A_101 {strides = array<i32>} : memref<512xf32, #tpu.memory_space<vmem>>, vector<16xf32>,
    }
    %scan3A_84 = arith.constant 32 : i32
    %mul3A_85 = arith.constant 512 : i32
    %mul3A_86 = arith.muli %add3A, %mul3A_85 : i32
    "tpu.region"() ({
      %run_scoped3A = tpu.sem_alloc : memref<!tpu.dma_semaphore, #tpu.memory_space<semaphore_mem>>
      %dma_start3A_87 = tpu.memref_slice %arg4[%mul3A_86] : memref<16384xf32, #tpu.memory_space<hbm>> -> memref<512xf32, #tpu.memory_space<hbm>>
      %dma_start3A_88 = tpu.memref_slice %arg4[%mul3A_86] : memref<16384xf32, #tpu.memory_space<hbm>> -> memref<512xf32, #tpu.memory_space<hbm>>
      tpu.enqueue_dma source(%arg7 : memref<512xf32, #tpu.memory_space<vmem>>) target(%dma_start3A_88 : memref<512xf32, #tpu.memory_space<hbm>>) target_semaphore(%run_scoped3A : memref<!tpu.dma_semaphore, #tpu.memory_space<semaphore_mem>>)
      %dma_wait3A_89 = tpu.memref_slice %arg4[%mul3A_86] : memref<16384xf32, #tpu.memory_space<hbm>> -> memref<512xf32, #tpu.memory_space<hbm>>
      %dma_wait3A_90 = tpu.memref_slice %arg4[%mul3A_86] : memref<16384xf32, #tpu.memory_space<hbm>> -> memref<512xf32, #tpu.memory_space<hbm>>
      tpu.wait_dma2 semaphore(%run_scoped3A : memref<!tpu.dma_semaphore, #tpu.memory_space<semaphore_mem>>) src(%arg7 : memref<512xf32, #tpu.memory_space<vmem>>) dst(%dma_wait3A_90 : memref<512xf32, #tpu.memory_space<hbm>>)
      tpu.yield
    }) : () -> ()
    return
  }
}

</mosaic_0001>

<sc_bundles>
// kernel: _run.3.cloned.1.call-start
scs
__scs_entry_jumppad:
0x0: {  	(pc) =	sbr.rel $0x88, $3  }
0x1: {  	(tag) =	ssettag $0x0;
	lr =	simm.s32 $0x1  }
0x2: {  	[smem:$0x3F9F] =	sst lr;
	_ =	strace $0xD0000000  }
0x3: {  	_ = 	snop  }
0x4: {  	_ = 	snop  }
0x5: {  	_ = 	snop  }
0x6: {  	_ = 	snop  }
0x7: {  	_ = 	snop  }
__scs_overlays_trampoline_lowered:
0x8: {  	[smem:$0x3FAE] =	sst s0  }
0x9: {  	[smem:$0x3FAF] =	sst s1  }
0xa: {  	[smem:$0x3FB0] =	sst s2  }
0xb: {  	[smem:$0x3FB1] =	sst s3  }
0xc: {  	[smem:$0x3FB2] =	sst s4  }
0xd: {  	[smem:$0x3FB3] =	sst s5  }
0xe: {  	[smem:$0x3FB4] =	sst s6  }
0xf: {  	[smem:$0x3FB5] =	sst s7  }
0x10: {  	[smem:$0x3FB6] =	sst s8  }
0x11: {  	[smem:$0x3FB7] =	sst s9;
	s0 =	simm.s32 @!p0 $0x0  }
0x12: {  	s1 =	sld [smem:$0x3F9D];
	s0 =	simm.s32 @p0 $0x1  }
0x13: {  	[smem:$0x3FB8] =	sst s0;
	s0 =	simm.s32 @!p1 $0x0  }
0x14: {  	s2 =	sld [smem:$0x3F9C];
	s0 =	simm.s32 @p1 $0x1  }
0x15: {  	[smem:$0x3FB9] =	sst s0;
	s0 =	simm.s32 @!p2 $0x0  }
0x16: {  	s3 =	sld [smem:$0x3FDB];
	s0 =	simm.s32 @p2 $0x1  }
0x17: {  	s4 =	simm.s32 $0x1BF5;
	[smem:$0x3FBB] =	sst s0  }
0x18: {  	s0 =	sld [smem:$0x3F9E];
	_ =	swait.ge [sflag:s4], $0x0  }
0x19: {  	s7 =	sld [smem:$0x3F9F]  }
0x1a: {  	s8 =	sadd.s32 $0xFFFFE003, lr  }
0x1b: {  	s9 =	sadd.s32 $0xFFFFFEF7, lr;
	s5 =	simm.s32 $0xFFFFFFFF;
	p2 =	slt.u32 s8, $0xFFFFF086  }
0x1c: {  	p1 =	slt.u32 s9, $0xF7A;
	s5 =	simm.s32 @!p2 $0x0  }
0x1d: {  	s5 =	simm.s32 @p1 $0x1;
	p0 =	seq.s32 s7, s2  }
0x1e: {  	s7 =	smul.u32 @!p0 $0xF7A, s2;
	p2 =	seq.s32 @!p0 s5, $0x0  }
0x1f: {  	s9 =	smul.u32 $0xF7A, s1;
	s8 =	simm.s32 @!p0 $0x1BF5;
	p2 =	por !p2, p0  }
0x20: {  	[sflag:s8] =	ssyncset.s32 @!p0 $0xFFFFF086;
	s6 =	sadd.s32 @!p0 s3, s7;
	s7 =	simm.s32 @!p0 $0x108  }
0x21: {  	s3 =	sadd.s32 s3, s9;
	s6 =	sadd.s32 @!p0 $0x88, s6;
	s7 =	simm.s32 @p2 $0x1082  }
0x22: {  	[simem:s7], [sflag:s8] =	dma.local @!p0 [hbm:s6], $0xF7A  }
0x23: {  	s9 =	sor.u32 $0xD0000000, s2;
	s6 =	simm.s32 $0x108;
	_ =	swait.ge @!p0 [sflag:s8], $0x0  }
0x24: {  	s3 =	sadd.s32 $0x88, s3;
	s6 =	simm.s32 @!p1 $0x1082;
	[sflag:s4] =	ssyncset.s32 $0xFFFFF086  }
0x25: {  	[simem:s6], [sflag:s4] =	dma.local [hbm:s3], $0xF7A  }
0x26: {  	[smem:$0x3F9F] =	sst s1;
	(tag) =	ssettag s2;
	_ =	strace s9  }
0x27: {  	s1 =	sld [smem:$0x3FAF]  }
0x28: {  	s2 =	sld [smem:$0x3FB0]  }
0x29: {  	s4 =	sld [smem:$0x3FB2]  }
0x2a: {  	p0 =	seq.s32 s5, $0x0;
	s5 =	sld [smem:$0x3FB3]  }
0x2b: {  	s6 =	sld [smem:$0x3FB4]  }
0x2c: {  	s7 =	sld [smem:$0x3FB5]  }
0x2d: {  	s3 =	simm.s32 $0x108;
	s8 =	sld [smem:$0x3FB6]  }
0x2e: {  	s3 =	simm.s32 @!p0 $0x1082;
	s9 =	sld [smem:$0x3FB7]  }
0x2f: {  	lr =	sadd.s32 s0, s3;
	s0 =	sld [smem:$0x3FAE]  }
0x30: {  	s3 =	sld [smem:$0x3FB1]  }
0x31: {  	[smem:$0x3FBA] =	sst s10  }
0x32: {  	s10 =	sld [smem:$0x3FB8];
	_ =	sdelay $0x3  }
0x33: {  	p0 =	seq.s32 s10, $0x1;
	s10 =	sld [smem:$0x3FBA];
	_ =	sdelay $0x3  }
0x34: {  	[smem:$0x3FBA] =	sst s10  }
0x35: {  	s10 =	sld [smem:$0x3FB9];
	_ =	sdelay $0x3  }
0x36: {  	p1 =	seq.s32 s10, $0x1;
	s10 =	sld [smem:$0x3FBA];
	_ =	sdelay $0x3  }
0x37: {  	[smem:$0x3FBA] =	sst s10  }
0x38: {  	s10 =	sld [smem:$0x3FBB]  }
0x39: {  	_ = 	snop;
	(pc) =	sbr.ind lr, $3  }
0x3a: {  	_ = 	snop  }
0x3b: {  	_ = 	snop  }
0x3c: {  	p2 =	seq.s32 s10, $0x1;
	s10 =	sld [smem:$0x3FBA]  }
0x3d: {  	_ =	shalt  }
0x3e: {  	_ =	shalt  }
0x3f: {  	_ =	shalt  }
0x40: {  	_ =	shalt  }
0x41: {  	_ =	shalt  }
0x42: {  	_ =	shalt  }
0x43: {  	_ =	shalt  }
0x44: {  	_ =	shalt  }
0x45: {  	_ =	shalt  }
0x46: {  	_ =	shalt  }
0x47: {  	_ =	shalt  }
0x48: {  	_ =	shalt  }
0x49: {  	_ =	shalt  }
0x4a: {  	_ =	shalt  }
0x4b: {  	_ =	shalt  }
0x4c: {  	_ =	shalt  }
0x4d: {  	_ =	shalt  }
0x4e: {  	_ =	shalt  }
0x4f: {  	_ =	shalt  }
0x50: {  	_ =	shalt  }
0x51: {  	_ =	shalt  }
0x52: {  	_ =	shalt  }
0x53: {  	_ =	shalt  }
0x54: {  	_ =	shalt  }
0x55: {  	_ =	shalt  }
0x56: {  	_ =	shalt  }
0x57: {  	_ =	shalt  }
0x58: {  	_ =	shalt  }
0x59: {  	_ =	shalt  }
0x5a: {  	_ =	shalt  }
0x5b: {  	_ =	shalt  }
0x5c: {  	_ =	shalt  }
0x5d: {  	_ =	shalt  }
0x5e: {  	_ =	shalt  }
0x5f: {  	_ =	shalt  }
0x60: {  	_ =	shalt  }
0x61: {  	_ =	shalt  }
0x62: {  	_ =	shalt  }
0x63: {  	_ =	shalt  }
0x64: {  	_ =	shalt  }
0x65: {  	_ =	shalt  }
0x66: {  	_ =	shalt  }
0x67: {  	_ =	shalt  }
0x68: {  	_ =	shalt  }
0x69: {  	_ =	shalt  }
0x6a: {  	_ =	shalt  }
0x6b: {  	_ =	shalt  }
0x6c: {  	_ =	shalt  }
0x6d: {  	_ =	shalt  }
0x6e: {  	_ =	shalt  }
0x6f: {  	_ =	shalt  }
0x70: {  	_ =	shalt  }
0x71: {  	_ =	shalt  }
0x72: {  	_ =	shalt  }
0x73: {  	_ =	shalt  }
0x74: {  	_ =	shalt  }
0x75: {  	_ =	shalt  }
0x76: {  	_ =	shalt  }
0x77: {  	_ =	shalt  }
0x78: {  	_ =	shalt  }
0x79: {  	_ =	shalt  }
0x7a: {  	_ =	shalt  }
0x7b: {  	_ =	shalt  }
0x7c: {  	_ =	shalt  }
0x7d: {  	_ =	shalt  }
0x7e: {  	_ =	shalt  }
0x7f: {  	_ =	shalt  }
0x80: {  	_ =	shalt  }
0x81: {  	_ =	shalt  }
0x82: {  	_ =	shalt  }
0x83: {  	_ =	shalt  }
0x84: {  	_ =	shalt  }
0x85: {  	_ =	shalt  }
0x86: {  	_ =	shalt  }
0x87: {  	_ =	shalt  }
.Lfunc_end0:
.L_simem_size_0:
called_computation_lowered:
.L_overlay_start_0:
0x88: {  	s2 =	sld [smem:$0x3FD9]  }
0x89: {  	s3 =	sld [smem:$0x3FFE];
	_ =	sdelay $0x1  }
0x8a: {  	s1 =	srdreg.scid  }
0x8b: {  	s0 =	sand.u32 $0x1, s1  }
0x8c: {  	s17 =	sshll.u32 s0, $0xA;
	s2 =	sadd.s32 s3, s2  }
0x8d: {  	s2 =	sadd.s32 s2, s17  }
0x8e: {  	[smem:$0x3FC6] =	sst s2  }
0x8f: {  	_ = 	snop  }
0x90: {  	s2 =	sld [smem:$0x3FC8]  }
0x91: {  	s18 =	sld [smem:$0x3FD0];
	(tm) =	ssettm $0x1  }
0x92: {  	s4 =	sld [smem:$0x3FFB];
	_ =	sdelay $0x3  }
0x93: {  	_ =	strace s4  }
0x94: {  	s4 =	sld [smem:$0x3FFC];
	_ =	sdelay $0x3  }
0x95: {  	_ =	strace s4  }
0x96: {  	s4 =	sld [smem:$0x3FFD];
	_ =	sdelay $0x3  }
0x97: {  	_ =	strace s4  }
0x98: {  	_ =	strace $0x8FFFFFFF  }
0x99: {  	s19 =	sld [smem:$0x3FDB];
	_ =	sdelay $0x1  }
0x9a: {  	s5 =	simm.s32 $_scs_section_size  }
0x9b: {  	s6 =	simm.s32 $_size__tile_overlayer_lowered;
	s7 =	simm.s32 $_tile_overlayer_lowered  }
0x9c: {  	s22 =	simm.s32 $0x1BFF;
	s21 =	sshll.u32 s7, $0x1;
	s4 =	sadd.s32 s5, s19  }
0x9d: {  	s8 =	simm.s32 $0x0;
	s20 =	sshll.u32 s6, $0x1;
	s6 =	sadd.s32 s21, s4  }
0x9e: {  	[timem:s8], [sflag:s22] =	dma.local [hbm:s6], s20  }
0x9f: {  	_ =	swait.ge [sflag:s22], s20  }
0xa0: {  	s5 =	ssub.s32 $0x0, s20;
	[sflag:s22] =	ssyncset.done $0x0  }
0xa1: {  	[sflag:s22] =	ssyncadd.s32 s5;
	_ =	sdelay $0x1  }
0xa2: {  	s23 =	simm.s32 $0x1B8B  }
0xa3: {  	_ =	swait.ge [sflag:s23], $0x1  }
0xa4: {  	[sflag:s23] =	ssyncset.done $0x0  }
0xa5: {  	s25 =	simm.s32 $0x1B8E;
	s24 =	sld [smem:$0x3FFE];
	[sflag:s23] =	ssyncadd.s32 $0xFFFFFFFF  }
0xa6: {  	s26 =	simm.s32 $execute0_lowered;
	[smem:$0x3FD2] =	sst s25  }
0xa7: {  	s6 =	sshll.u32 s26, $0x1;
	_ =	strace $0x80000046;
	[dreg:$0x1] =	wrdreg $0xFFFFFFFF  }
0xa8: {  	s28 =	simm.s32 $_size_execute0_lowered;
	s4 =	sadd.s32 s4, s6;
	[dreg:$0x0] =	wrdreg $0x0  }
0xa9: {  	s6 =	sshll.u32 s28, $0x1;
	[dreg:$0x2] =	wrdreg s4  }
0xaa: {  	[dreg:$0x3] =	wrdreg s6  }
0xab: {  	[dreg:$0x4] =	wrdreg $0xC0  }
0xac: {  	_ =	task [dreg:s8], $0x5FFFF  }
0xad: {  	[dreg:$0x1] =	wrdreg $0xFFFFFFFF  }
0xae: {  	[dreg:$0x0] =	wrdreg $0x60  }
0xaf: {  	[dreg:$0x2] =	wrdreg s24  }
0xb0: {  	[dreg:$0x3] =	wrdreg s2  }
0xb1: {  	[dreg:$0x4] =	wrdreg s18  }
0xb2: {  	[dreg:$0x5] =	wrdreg $0x9  }
0xb3: {  	_ =	task.clear_ibuf [dreg:s8], $0x6FFFF;
	_ =	strace $0x90000046  }
0xb4: {  	s29 =	simm.s32 $0x9;
	_ =	strace $0x80000048  }
0xb5: {  	_ =	swait.ge [sflag:s29], $0x1  }
0xb6: {  	[sflag:s29] =	ssyncadd.s32 $0xFFFFFFFF  }
0xb7: {  	_ =	strace $0x90000048  }
0xb8: {  	_ =	sfence  }
0xb9: {  	s30 =	sld [smem:$0x0];
	_ =	sdelay $0x2  }
0xba: {  	s31 =	sshll.u32 s1, $0xD;
	s1 =	sshrl.u32 s1, $0x2  }
0xbb: {  	s3 =	sand.u32 $0x4000, s31;
	s1 =	sadd.s32 s1, s30  }
0xbc: {  	s0 =	sor.u32 s3, s0;
	s1 =	sshll.u32 s1, $0x11  }
0xbd: {  	s0 =	sor.u32 s1, s0  }
0xbe: {  	s0 =	sadd.s32 $0x8F2B, s0  }
0xbf: {  	[sflag:s0] =	ssyncadd.remote.s32 $0x1  }
0xc0: {  	_ =	sfence.sel $0xFFFF  }
0xc1: {  	[dreg:$0x0] =	wrdreg $0xFFFFFFFF;
	(pc) =	sbr.abs _section_cstart, $3  }
0xc2: {  	[dreg:$0x1] =	wrdreg $0xFFFFFFFF  }
0xc3: {  	_ =	task.clear_ibuf [dreg:s8], $0x2FFFF;
	_ =	strace $0x9FFFFFFF  }
0xc4: {  	(tm) =	ssettm $0x7FFFFFFF  }
0xc5: {  	_ =	shalt  }
tec
execute0_lowered:
.L_overlay_start_1:
0x0: {  	(tag) =	ssettag $0x1  }
0x1: {  	v0 =	vimm.s32 $0xFEDCBA98;
	v1 =	vimm.s32 $0x76543210  }
0x2: {  	v2 =	vimm.s32 $0x3210FEDC;
	v3 =	vimm.s32 $0xBA987654;
	v4 =	vimm.s32 $0x10FEDCBA  }
0x3: {  	s4 =	rddreg [dreg:$0x0];
	s2 =	srdreg.scid;
	v5 =	vimm.s32 $0x98765432;
	v6 =	vimm.s32 $0xFEDCBA9;
	v7 =	vimm.s32 $0x87654321  }
0x4: {  	s0 =	stileid.u32;
	s1 =	rddreg [dreg:$0x1];
	v0 =	vunpack.c.l.s4.s8 v0;
	v1 =	vunpack.c.l.s4.s8 v1;
	v2 =	vunpack.c.l.s4.s8 v2  }
0x5: {  	s6 =	rddreg [dreg:$0x2];
	s3 =	simm.s32 $0x0;
	s9 =	simm.s32 $0x3600;
	v3 =	vunpack.c.l.s4.s8 v3;
	v4 =	vunpack.c.l.s4.s8 v4;
	v5 =	vunpack.c.l.s4.s8 v5  }
0x6: {  	s10 =	simm.s32 $0x1;
	s11 =	simm.s32 $0x3400;
	s12 =	simm.s32 $0x3;
	v6 =	vunpack.c.l.s4.s8 v6;
	v7 =	vunpack.c.l.s4.s8 v7;
	v0 =	vunpack.c.0.s8.s32 v0  }
0x7: {  	s5 =	sand.u32 $0x1, s2;
	s29 =	sshll.u32 s0, $0x1;
	s2 =	rddreg [dreg:$0x3];
	v2 =	vunpack.c.0.s8.s32 v2;
	v3 =	vunpack.c.0.s8.s32 v3;
	v4 =	vunpack.c.0.s8.s32 v4  }
0x8: {  	s13 =	simm.s32 $0x0;
	[smem:$0x7FF] =	sst s3;
	s7 =	sor.u32 s5, s29;
	v5 =	vunpack.c.0.s8.s32 v5;
	v6 =	vunpack.c.0.s8.s32 v6;
	v7 =	vunpack.c.0.s8.s32 v7  }
0x9: {  	s5 =	ssub.s32 $0x2, s5;
	_ =	strace $0x80000047;
	s8 =	smul.u32 $0x600, s7;
	v1 =	vunpack.c.0.s8.s32 v1;
	v2 =	vcombine.low v3, v2  }
0xa: {  	s30 =	sshrl.u32 s5, $0x1;
	s31 =	sshll.u32 s7, $0x6;
	s7 =	simm.s32 $0x3000;
	v3 =	vcombine.low v5, v4;
	v4 =	vcombine.low v7, v6;
	v0 =	vand.u32 $0xF, v0  }
0xb: {  	vm0 =	vmmov $0xff;
	s4 =	sadd.s32 s8, s4;
	s8 =	ssub.s32 s5, s30;
	s5 =	sadd.s32 s6, s31;
	v0 =	vcombine.low v0, v1  }
0xc: {  	s4 =	sadd.s32 $0x400, s4;
	s6 =	smax.u32 s8, $0x1;
	s8 =	simm.s32 $0x2;
	v1 =	vand.u32 $0xF, v2;
	v2 =	vand.u32 $0xF, v3;
	v3 =	vand.u32 $0xF, v4  }
.LBB2_1:
0xd: {  	[tilespmem:s3], [sflag:$0x1] =	stream.linear.gather [hbm4b:s4+s3], $0x3000, $0x38;
	[tilespmem:$0x3680] =	vst v63  }
0xe: {  	_ = 	snop  }
0xf: {  	[tilespmem:s7], [sflag:$0x2] =	stream.linear.gather [hbm4b:s1+s3], $0x3E8, $0x38;
	[tilespmem:$0x3680] =	vst v63  }
0x10: {  	_ =	swait.ge [sflag:s8], $0x3E8  }
0x11: {  	[sflag:s8] =	ssyncset.done $0x0  }
0x12: {  	[sflag:s8] =	ssyncadd.s32 $0xFFFFFC18  }
0x13: {  	v4 =	vld [tilespmem:$0x33E0];
	_ =	sdelay $0x4  }
0x14: {  	v4 =	vnsel vm0, $0x0, v4  }
0x15: {  	s15 =	simm.s32 $0x0;
	[tilespmem:$0x33E0] =	vst v4  }
0x16: {  	v5 =	vld [tilespmem:s15+$0x3000]  }
0x17: {  	s14 =	simm.s32 $0x40;
	v4 =	vimm.f32 $0.0e+00  }
.LBB2_2:
0x18: {  	p0 =	sne.s32 s14, $0xF80  }
.Ltmp0:
0x19: {  	_ = 	snop;
	(pc) =	sbr.rel @p0 .LBB2_2-.Ltmp0, $4  }
0x1a: {  	_ = 	snop  }
0x1b: {  	s15 =	sshra.s32 s14, $0x2;
	s14 =	sadd.s32 $0x40, s14;
	v6 =	vmul.f32 v5, v5  }
0x1c: {  	v5 =	vld [tilespmem:s15+$0x3000]  }
0x1d: {  	v4 =	vadd.f32 v6, v4  }
0x1e: {  	_ =	sdelay $0x2  }
0x1f: {  	v5 =	vmul.f32 v5, v5;
	_ =	sdelay $0x1  }
0x20: {  	v4 =	vadd.f32 v5, v4;
	_ =	sdelay $0x1  }
0x21: {  	[tilespmem:$0x3600] =	vst v4  }
0x22: {  	v5 =	vld.idx.msk [tilespmem:v0+s9+$0x0], $0xffff;
	_ =	sdelay $0x4  }
0x23: {  	v4 =	vadd.f32 v5, v4;
	_ =	sdelay $0x1  }
0x24: {  	[tilespmem:$0x3600] =	vst v4  }
0x25: {  	v5 =	vld.idx.msk [tilespmem:v1+s9+$0x0], $0xffff;
	_ =	sdelay $0x4  }
0x26: {  	v4 =	vadd.f32 v5, v4;
	_ =	sdelay $0x1  }
0x27: {  	[tilespmem:$0x3600] =	vst v4  }
0x28: {  	v5 =	vld.idx.msk [tilespmem:v2+s9+$0x0], $0xffff;
	_ =	sdelay $0x4  }
0x29: {  	v4 =	vadd.f32 v5, v4;
	_ =	sdelay $0x1  }
0x2a: {  	[tilespmem:$0x3600] =	vst v4  }
0x2b: {  	v5 =	vld.idx.msk [tilespmem:v3+s9+$0x0], $0xffff;
	_ =	sdelay $0x4  }
0x2c: {  	v4 =	vadd.f32 v5, v4;
	_ =	sdelay $0x1  }
0x2d: {  	v4 =	vmul.f32 v4, v4;
	_ =	sdelay $0x1  }
0x2e: {  	v5 =	vmul.f32 v4, v4;
	_ =	sdelay $0x1  }
0x2f: {  	v5 =	vmul.f32 v5, v5;
	_ =	sdelay $0x1  }
0x30: {  	v4 =	vmul.f32 v5, v4;
	_ =	sdelay $0x1  }
0x31: {  	(erf) = vrcp.f32 v4;
	_ =	sdelay $0x8  }
0x32: {  	v4 =	vpop (erf)  }
0x33: {  	s14 =	simm.s32 $0x0;
	_ =	swait.ge [sflag:s10], $0x3000  }
0x34: {  	s15 =	sand.u32 $0x70, s14;
	s14 =	sand.u32 $0xC00, s14;
	[sflag:s10] =	ssyncset.done $0x0  }
0x35: {  	s14 =	sor.u32 s15, s14;
	[sflag:s10] =	ssyncadd.s32 $0xFFFFD000  }
0x36: {  	v5 =	vld [tilespmem:s14+$0x2100]  }
0x37: {  	v6 =	vld [tilespmem:s14+$0x2180]  }
0x38: {  	v7 =	vld [tilespmem:s14+$0x2000]  }
0x39: {  	v8 =	vld [tilespmem:s14+$0x2080]  }
0x3a: {  	v9 =	vld [tilespmem:s14+$0x1300]  }
0x3b: {  	v10 =	vld [tilespmem:s14+$0x1380]  }
0x3c: {  	v11 =	vld [tilespmem:s14+$0x1200]  }
0x3d: {  	v12 =	vld [tilespmem:s14+$0x1280]  }
0x3e: {  	v13 =	vld [tilespmem:s14+$0x1100]  }
0x3f: {  	v14 =	vld [tilespmem:s14+$0x1180]  }
0x40: {  	v15 =	vld [tilespmem:s14+$0x1000]  }
0x41: {  	v16 =	vld [tilespmem:s14+$0x1080]  }
0x42: {  	v17 =	vld [tilespmem:s14+$0x0]  }
0x43: {  	v18 =	vld [tilespmem:s14+$0x100]  }
0x44: {  	v19 =	vld [tilespmem:s14+$0x80]  }
0x45: {  	v20 =	vld [tilespmem:s14+$0x180]  }
0x46: {  	v21 =	vld [tilespmem:s14+$0x200]  }
0x47: {  	v22 =	vld [tilespmem:s14+$0x280]  }
0x48: {  	v23 =	vld [tilespmem:s14+$0x300]  }
0x49: {  	v24 =	vld [tilespmem:s14+$0x380]  }
0x4a: {  	v17 =	vld.idx.msk [tilespmem:v17+s7+$0x0], $0xffff  }
0x4b: {  	v18 =	vld.idx.msk [tilespmem:v18+s7+$0x0], $0xffff  }
0x4c: {  	v19 =	vld.idx.msk [tilespmem:v19+s7+$0x0], $0xffff  }
0x4d: {  	v20 =	vld.idx.msk [tilespmem:v20+s7+$0x0], $0xffff  }
0x4e: {  	v21 =	vld.idx.msk [tilespmem:v21+s7+$0x0], $0xffff  }
0x4f: {  	v22 =	vld.idx.msk [tilespmem:v22+s7+$0x0], $0xffff  }
0x50: {  	v23 =	vld.idx.msk [tilespmem:v23+s7+$0x0], $0xffff  }
0x51: {  	v24 =	vld.idx.msk [tilespmem:v24+s7+$0x0], $0xffff  }
0x52: {  	v15 =	vld.idx.msk [tilespmem:v15+s7+$0x0], $0xffff;
	v17 =	vmul.f32 v18, v17;
	v18 =	vmul.f32 v20, v19  }
0x53: {  	v16 =	vld.idx.msk [tilespmem:v16+s7+$0x0], $0xffff  }
0x54: {  	v13 =	vld.idx.msk [tilespmem:v13+s7+$0x0], $0xffff;
	v17 =	vmul.f32 v21, v17;
	v18 =	vmul.f32 v22, v18  }
0x55: {  	v14 =	vld.idx.msk [tilespmem:v14+s7+$0x0], $0xffff  }
0x56: {  	v11 =	vld.idx.msk [tilespmem:v11+s7+$0x0], $0xffff;
	v17 =	vmul.f32 v23, v17;
	v18 =	vmul.f32 v24, v18  }
0x57: {  	v12 =	vld.idx.msk [tilespmem:v12+s7+$0x0], $0xffff  }
0x58: {  	v9 =	vld.idx.msk [tilespmem:v9+s7+$0x0], $0xffff;
	v15 =	vmul.f32 v15, v17;
	v16 =	vmul.f32 v16, v18  }
0x59: {  	v10 =	vld.idx.msk [tilespmem:v10+s7+$0x0], $0xffff  }
0x5a: {  	v7 =	vld.idx.msk [tilespmem:v7+s7+$0x0], $0xffff;
	v13 =	vmul.f32 v13, v15;
	v14 =	vmul.f32 v14, v16  }
0x5b: {  	v8 =	vld.idx.msk [tilespmem:v8+s7+$0x0], $0xffff  }
0x5c: {  	v5 =	vld.idx.msk [tilespmem:v5+s7+$0x0], $0xffff;
	v11 =	vmul.f32 v11, v13;
	v12 =	vmul.f32 v12, v14  }
0x5d: {  	v6 =	vld.idx.msk [tilespmem:v6+s7+$0x0], $0xffff  }
0x5e: {  	v9 =	vmul.f32 v9, v11;
	v10 =	vmul.f32 v10, v12;
	_ =	sdelay $0x1  }
0x5f: {  	v7 =	vmul.f32 v7, v9;
	v8 =	vmul.f32 v8, v10;
	_ =	sdelay $0x1  }
0x60: {  	v5 =	vmul.f32 v5, v7;
	v6 =	vmul.f32 v6, v8;
	_ =	sdelay $0x1  }
0x61: {  	v5 =	vmul.f32 v6, v5;
	_ =	sdelay $0x1  }
0x62: {  	v5 =	vmul.f32 v5, v4;
	_ =	sdelay $0x1  }
0x63: {  	s16 =	simm.s32 $0x10;
	s15 =	simm.s32 $0x80;
	v5 =	vmul.f32 $9.999999560e+24, v5  }
0x64: {  	s16 =	sand.u32 $0x70, s16;
	s17 =	sand.u32 $0xC00, s15;
	s14 =	simm.s32 $0x3400  }
0x65: {  	s17 =	sor.u32 s16, s17;
	[tilespmem:s14+$0x0] =	vst v5  }
0x66: {  	v6 =	vld [tilespmem:s17+$0x2100]  }
0x67: {  	v5 =	vld [tilespmem:s17+$0x2180]  }
0x68: {  	v8 =	vld [tilespmem:s17+$0x2000]  }
0x69: {  	v7 =	vld [tilespmem:s17+$0x2080]  }
0x6a: {  	v10 =	vld [tilespmem:s17+$0x1300]  }
0x6b: {  	v9 =	vld [tilespmem:s17+$0x1380]  }
0x6c: {  	v12 =	vld [tilespmem:s17+$0x1200]  }
0x6d: {  	v11 =	vld [tilespmem:s17+$0x1280]  }
0x6e: {  	v14 =	vld [tilespmem:s17+$0x1100]  }
0x6f: {  	v13 =	vld [tilespmem:s17+$0x1180]  }
0x70: {  	v16 =	vld [tilespmem:s17+$0x1000]  }
0x71: {  	v15 =	vld [tilespmem:s17+$0x1080]  }
0x72: {  	v17 =	vld [tilespmem:s17+$0x0]  }
0x73: {  	s16 =	simm.s32 $0x20;
	v18 =	vld [tilespmem:s17+$0x100]  }
.LBB2_4:
0x74: {  	p0 =	sne.s32 s16, $0x1F0;
	v19 =	vld [tilespmem:s17+$0x80]  }
0x75: {  	v20 =	vld [tilespmem:s17+$0x180]  }
0x76: {  	v21 =	vld [tilespmem:s17+$0x200]  }
0x77: {  	v22 =	vld [tilespmem:s17+$0x280]  }
0x78: {  	v23 =	vld [tilespmem:s17+$0x300]  }
0x79: {  	v24 =	vld [tilespmem:s17+$0x380]  }
0x7a: {  	v17 =	vld.idx.msk [tilespmem:v17+s7+$0x0], $0xffff  }
0x7b: {  	v18 =	vld.idx.msk [tilespmem:v18+s7+$0x0], $0xffff  }
0x7c: {  	v19 =	vld.idx.msk [tilespmem:v19+s7+$0x0], $0xffff  }
0x7d: {  	v20 =	vld.idx.msk [tilespmem:v20+s7+$0x0], $0xffff  }
0x7e: {  	v21 =	vld.idx.msk [tilespmem:v21+s7+$0x0], $0xffff  }
0x7f: {  	v22 =	vld.idx.msk [tilespmem:v22+s7+$0x0], $0xffff  }
0x80: {  	v23 =	vld.idx.msk [tilespmem:v23+s7+$0x0], $0xffff  }
0x81: {  	v24 =	vld.idx.msk [tilespmem:v24+s7+$0x0], $0xffff  }
0x82: {  	v16 =	vld.idx.msk [tilespmem:v16+s7+$0x0], $0xffff  }
0x83: {  	v17 =	vmul.f32 v18, v17;
	v18 =	vmul.f32 v20, v19;
	v15 =	vld.idx.msk [tilespmem:v15+s7+$0x0], $0xffff  }
0x84: {  	v14 =	vld.idx.msk [tilespmem:v14+s7+$0x0], $0xffff  }
0x85: {  	v17 =	vmul.f32 v21, v17;
	v18 =	vmul.f32 v22, v18;
	v13 =	vld.idx.msk [tilespmem:v13+s7+$0x0], $0xffff  }
0x86: {  	v12 =	vld.idx.msk [tilespmem:v12+s7+$0x0], $0xffff  }
0x87: {  	v17 =	vmul.f32 v23, v17;
	v18 =	vmul.f32 v24, v18;
	v11 =	vld.idx.msk [tilespmem:v11+s7+$0x0], $0xffff  }
0x88: {  	v10 =	vld.idx.msk [tilespmem:v10+s7+$0x0], $0xffff  }
0x89: {  	v16 =	vmul.f32 v16, v17;
	v15 =	vmul.f32 v15, v18;
	v9 =	vld.idx.msk [tilespmem:v9+s7+$0x0], $0xffff  }
0x8a: {  	v8 =	vld.idx.msk [tilespmem:v8+s7+$0x0], $0xffff  }
0x8b: {  	v14 =	vmul.f32 v14, v16;
	v13 =	vmul.f32 v13, v15;
	v7 =	vld.idx.msk [tilespmem:v7+s7+$0x0], $0xffff  }
0x8c: {  	v6 =	vld.idx.msk [tilespmem:v6+s7+$0x0], $0xffff  }
0x8d: {  	v12 =	vmul.f32 v12, v14;
	v11 =	vmul.f32 v11, v13;
	v5 =	vld.idx.msk [tilespmem:v5+s7+$0x0], $0xffff;
	_ =	sdelay $0x1  }
0x8e: {  	v10 =	vmul.f32 v10, v12;
	v9 =	vmul.f32 v9, v11;
	_ =	sdelay $0x1  }
0x8f: {  	v8 =	vmul.f32 v8, v10;
	v7 =	vmul.f32 v7, v9;
	_ =	sdelay $0x1  }
0x90: {  	v6 =	vmul.f32 v6, v8;
	v5 =	vmul.f32 v5, v7;
	_ =	sdelay $0x1  }
0x91: {  	v5 =	vmul.f32 v5, v6;
	_ =	sdelay $0x1  }
0x92: {  	v5 =	vmul.f32 v5, v4;
	_ =	sdelay $0x1  }
0x93: {  	s15 =	sadd.s32 $0x80, s15;
	v5 =	vmul.f32 $9.999999560e+24, v5  }
0x94: {  	s14 =	sadd.s32 $0x10, s14;
	s18 =	sand.u32 $0xC00, s15;
	s17 =	sand.u32 $0x70, s16  }
0x95: {  	s17 =	sor.u32 s17, s18;
	[tilespmem:s14+$0x0] =	vst v5  }
0x96: {  	v6 =	vld [tilespmem:s17+$0x2100]  }
0x97: {  	v5 =	vld [tilespmem:s17+$0x2180]  }
0x98: {  	v8 =	vld [tilespmem:s17+$0x2000]  }
0x99: {  	v7 =	vld [tilespmem:s17+$0x2080]  }
0x9a: {  	v10 =	vld [tilespmem:s17+$0x1300]  }
0x9b: {  	v9 =	vld [tilespmem:s17+$0x1380]  }
0x9c: {  	v12 =	vld [tilespmem:s17+$0x1200]  }
0x9d: {  	v11 =	vld [tilespmem:s17+$0x1280]  }
0x9e: {  	v14 =	vld [tilespmem:s17+$0x1100]  }
.Ltmp1:
0x9f: {  	v13 =	vld [tilespmem:s17+$0x1180];
	(pc) =	sbr.rel @p0 .LBB2_4-.Ltmp1, $4  }
0xa0: {  	v16 =	vld [tilespmem:s17+$0x1000]  }
0xa1: {  	v15 =	vld [tilespmem:s17+$0x1080]  }
0xa2: {  	v17 =	vld [tilespmem:s17+$0x0]  }
0xa3: {  	s16 =	sadd.s32 $0x10, s16;
	v18 =	vld [tilespmem:s17+$0x100]  }
0xa4: {  	_ = 	snop  }
0xa5: {  	v19 =	vld [tilespmem:s17+$0x80]  }
0xa6: {  	v20 =	vld [tilespmem:s17+$0x180]  }
0xa7: {  	v21 =	vld [tilespmem:s17+$0x200]  }
0xa8: {  	v22 =	vld [tilespmem:s17+$0x280]  }
0xa9: {  	v23 =	vld [tilespmem:s17+$0x300]  }
0xaa: {  	v24 =	vld [tilespmem:s17+$0x380]  }
0xab: {  	v17 =	vld.idx.msk [tilespmem:v17+s7+$0x0], $0xffff  }
0xac: {  	v18 =	vld.idx.msk [tilespmem:v18+s7+$0x0], $0xffff  }
0xad: {  	v19 =	vld.idx.msk [tilespmem:v19+s7+$0x0], $0xffff  }
0xae: {  	v20 =	vld.idx.msk [tilespmem:v20+s7+$0x0], $0xffff  }
0xaf: {  	v21 =	vld.idx.msk [tilespmem:v21+s7+$0x0], $0xffff  }
0xb0: {  	v22 =	vld.idx.msk [tilespmem:v22+s7+$0x0], $0xffff  }
0xb1: {  	v23 =	vld.idx.msk [tilespmem:v23+s7+$0x0], $0xffff  }
0xb2: {  	v24 =	vld.idx.msk [tilespmem:v24+s7+$0x0], $0xffff  }
0xb3: {  	v16 =	vld.idx.msk [tilespmem:v16+s7+$0x0], $0xffff;
	v17 =	vmul.f32 v18, v17;
	v63 =	vmul.f32 v20, v19  }
0xb4: {  	v15 =	vld.idx.msk [tilespmem:v15+s7+$0x0], $0xffff  }
0xb5: {  	v14 =	vld.idx.msk [tilespmem:v14+s7+$0x0], $0xffff;
	v17 =	vmul.f32 v21, v17;
	v18 =	vmul.f32 v22, v63  }
0xb6: {  	v13 =	vld.idx.msk [tilespmem:v13+s7+$0x0], $0xffff  }
0xb7: {  	v12 =	vld.idx.msk [tilespmem:v12+s7+$0x0], $0xffff;
	v17 =	vmul.f32 v23, v17;
	v18 =	vmul.f32 v24, v18  }
0xb8: {  	v11 =	vld.idx.msk [tilespmem:v11+s7+$0x0], $0xffff  }
0xb9: {  	v10 =	vld.idx.msk [tilespmem:v10+s7+$0x0], $0xffff;
	v16 =	vmul.f32 v16, v17;
	v15 =	vmul.f32 v15, v18  }
0xba: {  	v9 =	vld.idx.msk [tilespmem:v9+s7+$0x0], $0xffff  }
0xbb: {  	v8 =	vld.idx.msk [tilespmem:v8+s7+$0x0], $0xffff;
	v14 =	vmul.f32 v14, v16;
	v13 =	vmul.f32 v13, v15  }
0xbc: {  	v7 =	vld.idx.msk [tilespmem:v7+s7+$0x0], $0xffff  }
0xbd: {  	v6 =	vld.idx.msk [tilespmem:v6+s7+$0x0], $0xffff;
	v12 =	vmul.f32 v12, v14;
	v11 =	vmul.f32 v11, v13  }
0xbe: {  	v5 =	vld.idx.msk [tilespmem:v5+s7+$0x0], $0xffff  }
0xbf: {  	v10 =	vmul.f32 v10, v12;
	v9 =	vmul.f32 v9, v11;
	_ =	sdelay $0x1  }
0xc0: {  	v8 =	vmul.f32 v8, v10;
	v7 =	vmul.f32 v7, v9;
	_ =	sdelay $0x1  }
0xc1: {  	v6 =	vmul.f32 v6, v8;
	v5 =	vmul.f32 v5, v7;
	_ =	sdelay $0x1  }
0xc2: {  	v5 =	vmul.f32 v5, v6;
	_ =	sdelay $0x1  }
0xc3: {  	v4 =	vmul.f32 v5, v4;
	_ =	sdelay $0x1  }
0xc4: {  	s13 =	sadd.s32 $0x1, s13;
	v4 =	vmul.f32 $9.999999560e+24, v4  }
0xc5: {  	s14 =	sadd.s32 $0x10, s14;
	p0 =	sne.s32 s13, s6  }
.Ltmp2:
0xc6: {  	[tilespmem:s14+$0x0] =	vst v4;
	(pc) =	sbr.rel @p0 .LBB2_1-.Ltmp2, $4  }
0xc7: {  	[hbm4b:s5+s3] =	stream.linear.scatter [tilespmem:s11], [sflag:$0x3], $0x200, $0x38;
	[tilespmem:$0x3680] =	vst v63  }
0xc8: {  	_ =	swait.ge [sflag:s12], $0x200  }
0xc9: {  	[sflag:s12] =	ssyncset.done $0x0  }
0xca: {  	[sflag:s12] =	ssyncadd.s32 $0xFFFFFE00  }
0xcb: {  	_ =	sfence.sel $0x180000  }
0xcc: {  	[bflag:$0x0] =	sbarrier.arrive $0xFFFF  }
0xcd: {  	p0 =	sne.s32 s0, $0x0;
	_ =	strace $0x90000047  }
0xce: {  	s0 =	sadd.s32 @!p0 $0x100000, s2;
	[bflag:$0x2] =	sbarrier.arrive $0xFFFF  }
0xcf: {  	[sflag:s0] =	ssyncadd.tile.s32 @!p0 $0x1;
	_ =	shalt  }
.Lfunc_end2:
_tile_overlayer_lowered:
.L_overlay_start_2:
0xd0: {  	(tag) =	ssettag $0x2  }
0xd1: {  	s0 =	rddreg [dreg:$0x0];
	s2 =	stileid.u32  }
0xd2: {  	s1 =	rddreg [dreg:$0x1];
	p0 =	sne.s32 s2, $0x0  }
0xd3: {  	s3 =	rddreg [dreg:$0x2];
	[bflag:$0x3] =	sbarrier.arrive $0xFFFF;
	s2 =	simm.s32 @!p0 $0x1C03  }
0xd4: {  	[timem:s3], [sflag:s2] =	dma.local @!p0 [hbm:s0], s1  }
0xd5: {  	s0 =	simm.s32 @!p0 $0x3  }
0xd6: {  	_ =	swait.ge @!p0 [sflag:s0], s1  }
0xd7: {  	s1 =	ssub.s32 @!p0 $0x0, s1;
	[sflag:s0] =	ssyncset.done @!p0 $0x0  }
0xd8: {  	[sflag:s0] =	ssyncadd.s32 @!p0 s1  }
0xd9: {  	[bflag:$0x3] =	sbarrier.arrive $0xFFFF  }
0xda: {  	_ =	shalt  }

</sc_bundles>
